<compile_context>
chip_gen: v7x
topology: tpu7x:2x2x1
jax: 0.10.2.dev20260603
libtpu: 0.0.44.dev20260713+nightly
codegen_flags: <defaults>
</compile_context>

<pallas_src>
import functools

import jax
import jax.numpy as jnp
from jax import lax
from jax.experimental import pallas as pl
from jax.experimental.pallas import tpu as pltpu
from jax.experimental.pallas import tpu_sc as plsc

_B = 16384
_K = 8192
_D = 64
_TB = 256
_BETA = 0.25

_NC = 2
_NS = 16
_NW = _NC * _NS
_RW = _B // _NW
_CH = 128


def _normalize_rows(x, eps=1e-12):
    norm = jnp.linalg.norm(x, axis=1, keepdims=True)
    return x / jnp.maximum(norm, eps)


def _tc_body(nh_ref, nw_ref,
             onehot_ref, idx_ref, perp_ref,
             counts_ref):
    b = pl.program_id(0)
    nb = pl.num_programs(0)

    d = jax.lax.dot_general(
        nh_ref[...], nw_ref[...], (((1,), (1,)), ((), ())),
        preferred_element_type=jnp.float32)
    m = jnp.max(d, axis=1, keepdims=True)
    col = jax.lax.broadcasted_iota(jnp.int32, (_TB, _K), 1)
    sel = jnp.where(d >= m, col, -1)
    idx = jnp.max(sel, axis=1)
    idx_ref[...] = idx
    oh = (col == idx[:, None]).astype(jnp.float32)
    onehot_ref[...] = oh

    @pl.when(b == 0)
    def _init():
        counts_ref[...] = jnp.zeros_like(counts_ref)
        perp_ref[...] = jnp.zeros_like(perp_ref)

    counts_ref[...] += jnp.sum(oh, axis=0, keepdims=True)

    @pl.when(b == nb - 1)
    def _fin():
        p = counts_ref[...] * (1.0 / _B)
        ent = jnp.sum(p * jnp.log(p + 1e-10))
        perp_ref[...] = jnp.exp(-ent).reshape(1, 1)


def _tc_call(nh_bf, nw_bf):
    return pl.pallas_call(
        _tc_body,
        grid=(_B // _TB,),
        in_specs=[
            pl.BlockSpec((_TB, _D), lambda b: (b, 0)),
            pl.BlockSpec((_K, _D), lambda b: (0, 0)),
        ],
        out_specs=[
            pl.BlockSpec((_TB, _K), lambda b: (b, 0)),
            pl.BlockSpec((_TB,), lambda b: (b,)),
            pl.BlockSpec((1, 1), lambda b: (0, 0)),
        ],
        out_shape=[
            jax.ShapeDtypeStruct((_B, _K), jnp.float32),
            jax.ShapeDtypeStruct((_B,), jnp.int32),
            jax.ShapeDtypeStruct((1, 1), jnp.float32),
        ],
        scratch_shapes=[
            pltpu.VMEM((1, _K), jnp.float32),
        ],
        compiler_params=pltpu.CompilerParams(
            dimension_semantics=("arbitrary",),
        ),
    )(nh_bf, nw_bf)


def _sc_body(wb_hbm, idx_hbm, h_hbm,
             zqout_hbm, part_hbm,
             idx_v, rows_v, h_v, out_v, part_v, sem):
    wid = lax.axis_index("s") * _NC + lax.axis_index("c")
    base = wid * _RW
    pltpu.sync_copy(idx_hbm.at[pl.ds(base, _RW)], idx_v)

    acc0 = jnp.zeros((16,), jnp.float32)

    def chunk(c, acc):
        cb = base + c * _CH
        pltpu.async_copy(
            wb_hbm.at[idx_v.at[pl.ds(c * _CH, _CH)]], rows_v, sem).wait()
        pltpu.sync_copy(h_hbm.at[pl.ds(cb, _CH)], h_v)

        def row(i, a):
            for j in range(_D // 16):
                zq = rows_v[i, pl.ds(j * 16, 16)]
                hh = h_v[i, pl.ds(j * 16, 16)]
                dd = zq - hh
                out_v[i, pl.ds(j * 16, 16)] = hh + dd
                a = a + dd * dd
            return a

        acc = lax.fori_loop(0, _CH, row, acc)
        pltpu.sync_copy(out_v, zqout_hbm.at[pl.ds(cb, _CH)])
        return acc

    acc = lax.fori_loop(0, _RW // _CH, chunk, acc0)
    part_v[...] = acc
    pltpu.sync_copy(part_v, part_hbm.at[wid])


def _sc_call(wb, idx, h_batch):
    sc = functools.partial(
        pl.kernel,
        out_type=[
            jax.ShapeDtypeStruct((_B, _D), jnp.float32),
            jax.ShapeDtypeStruct((_NW, 16), jnp.float32),
        ],
        mesh=plsc.VectorSubcoreMesh(core_axis_name="c",
                                    subcore_axis_name="s"),
        scratch_types=[
            pltpu.VMEM((_RW,), jnp.int32),
            pltpu.VMEM((_CH, 128), jnp.float32),
            pltpu.VMEM((_CH, _D), jnp.float32),
            pltpu.VMEM((_CH, _D), jnp.float32),
            pltpu.VMEM((16,), jnp.float32),
            pltpu.SemaphoreType.DMA,
        ],
    )(_sc_body)
    return sc(wb, idx, h_batch)


def kernel(h_batch, W):
    nh = _normalize_rows(jax.lax.stop_gradient(h_batch))
    nw = _normalize_rows(W)
    nh_bf = nh.astype(jnp.bfloat16)
    nw_bf = nw.astype(jnp.bfloat16)
    wb = W.astype(jnp.bfloat16).astype(jnp.float32)
    wb = jnp.concatenate([wb, jnp.zeros((_K, 128 - _D), jnp.float32)], axis=1)

    onehot, idx, perp = _tc_call(nh_bf, nw_bf)
    zqout, parts = _sc_call(wb, idx, h_batch)
    loss = (1.0 + _BETA) * (1.0 / (_B * _D)) * jnp.sum(parts)
    return (zqout, loss, perp[0, 0], onehot, idx)

# --- scband reference (transcript-rebuilt; emitter-appended) ---
"""Pipeline reference for scband-vector-quantiser-39616778338669 (READ-ONLY COPY).

The authoritative reference and input builder live on the scoring server;
editing this copy changes nothing except your own understanding.
"""

import jax, jax.numpy as jnp
import numpy as np

NUM_EMBED = 8192
EMBED_DIM = 64
BETA = 0.25

def _normalize(x, axis=1, eps=1e-12):
    norm = jnp.linalg.norm(x, axis=axis, keepdims=True)
    return x / jnp.maximum(norm, eps)

def setup_inputs(seed: int = 0) -> dict:
    key = jax.random.key(seed)
    k1, k2 = jax.random.split(key)
    h_batch = jax.random.normal(k1, (16384, EMBED_DIM), dtype=jnp.float32)
    # embedding weight initialized uniform(-1/num_embed, 1/num_embed) as in torch module
    W = jax.random.uniform(k2, (NUM_EMBED, EMBED_DIM), dtype=jnp.float32,
                           minval=-1.0 / NUM_EMBED, maxval=1.0 / NUM_EMBED)
    return {"h_batch": h_batch, "W": W}

def reference(h_batch, W):
    # distance == 'cos'
    normed_h = _normalize(jax.lax.stop_gradient(h_batch), axis=1)
    normed_codebook = _normalize(W, axis=1)
    d = jnp.einsum('bd,dn->bn', normed_h, normed_codebook.T)  # [B, K]
    # sort along codebook dim; closest code = largest cosine similarity
    indices = jnp.argsort(d, axis=1)
    encoding_indices = indices[:, -1]  # [B]
    encodings = jax.nn.one_hot(encoding_indices, NUM_EMBED, dtype=h_batch.dtype)  # [B, K]
    z_q_vectors = jnp.matmul(encodings, W)  # [B, D]
    loss = BETA * jnp.mean((jax.lax.stop_gradient(z_q_vectors) - h_batch) ** 2) \
           + jnp.mean((z_q_vectors - jax.lax.stop_gradient(h_batch)) ** 2)
    # straight-through estimator
    z_q_output = h_batch + jax.lax.stop_gradient(z_q_vectors - h_batch)
    avg_probs = jnp.mean(encodings, axis=0)
    perplexity = jnp.exp(-jnp.sum(avg_probs * jnp.log(avg_probs + 1e-10)))
    min_encodings = encodings
    return (z_q_output, loss, perplexity, min_encodings, encoding_indices)

if __name__ == "__main__":
    import jax
    _d = setup_inputs()
    print(jax.jit(kernel)(*tuple(_d.values())))

</pallas_src>

<mosaic_0001>
#map = affine_map<(d0, d1) -> (0, 0)>
#map1 = affine_map<(d0, d1) -> (0)>
module attributes {stable_mosaic.version = 14 : i64} {
  func.func @_sc_body(%arg0: i32, %arg1: i32, %arg2: memref<8192x128xf32, #tpu.memory_space<hbm>>, %arg3: memref<16384xi32, #tpu.memory_space<hbm>>, %arg4: memref<16384x64xf32, #tpu.memory_space<hbm>>, %arg5: memref<16384x64xf32, #tpu.memory_space<hbm>>, %arg6: memref<32x16xf32, #tpu.memory_space<hbm>>, %arg7: memref<512xi32, #tpu.memory_space<vmem>>, %arg8: memref<128x128xf32, #tpu.memory_space<vmem>>, %arg9: memref<128x64xf32, #tpu.memory_space<vmem>>, %arg10: memref<128x64xf32, #tpu.memory_space<vmem>>, %arg11: memref<16xf32, #tpu.memory_space<vmem>>, %arg12: memref<!tpu.dma_semaphore, #tpu.memory_space<semaphore_mem>>) attributes {dimension_semantics = [#tpu.dimension_semantics<core_parallel>, #tpu.dimension_semantics<subcore_parallel>], iteration_bounds = array<i64: 2, 16>, scalar_prefetch = 0 : i64, scratch_operands = 6 : i64, tpu.core_type = #tpu.core_type<sc_vector_subcore>, window_params = [{transform_indices = #map}, {transform_indices = #map1}, {transform_indices = #map}, {transform_indices = #map}, {transform_indices = #map}]} {
    %mul3A = arith.constant 2 : i32
    %mul3A_0 = arith.muli %arg1, %mul3A : i32
    %add3A = arith.addi %mul3A_0, %arg0 : i32
    %mul3A_1 = arith.constant 512 : i32
    %mul3A_2 = arith.muli %add3A, %mul3A_1 : i32
    "tpu.region"() ({
      %run_scoped3A = tpu.sem_alloc : memref<!tpu.dma_semaphore, #tpu.memory_space<semaphore_mem>>
      %dma_start3A = tpu.memref_slice %arg3[%mul3A_2] : memref<16384xi32, #tpu.memory_space<hbm>> -> memref<512xi32, #tpu.memory_space<hbm>>
      %dma_start3A_12 = tpu.memref_slice %arg3[%mul3A_2] : memref<16384xi32, #tpu.memory_space<hbm>> -> memref<512xi32, #tpu.memory_space<hbm>>
      tpu.enqueue_dma source(%dma_start3A_12 : memref<512xi32, #tpu.memory_space<hbm>>) target(%arg7 : memref<512xi32, #tpu.memory_space<vmem>>) target_semaphore(%run_scoped3A : memref<!tpu.dma_semaphore, #tpu.memory_space<semaphore_mem>>)
      %dma_wait3A = tpu.memref_slice %arg3[%mul3A_2] : memref<16384xi32, #tpu.memory_space<hbm>> -> memref<512xi32, #tpu.memory_space<hbm>>
      %dma_wait3A_13 = tpu.memref_slice %arg3[%mul3A_2] : memref<16384xi32, #tpu.memory_space<hbm>> -> memref<512xi32, #tpu.memory_space<hbm>>
      tpu.wait_dma2 semaphore(%run_scoped3A : memref<!tpu.dma_semaphore, #tpu.memory_space<semaphore_mem>>) src(%dma_wait3A_13 : memref<512xi32, #tpu.memory_space<hbm>>) dst(%arg7 : memref<512xi32, #tpu.memory_space<vmem>>)
      tpu.yield
    }) : () -> ()
    %broadcast_in_dim3A = arith.constant 0.000000e+00 : f32
    %broadcast_in_dim3A_3 = vector.broadcast %broadcast_in_dim3A : f32 to vector<16xf32>
    %scan3A = arith.constant 0 : i32
    %scan3A_4 = arith.constant 4 : i32
    %scan3A_5 = arith.addi %scan3A, %scan3A_4 : i32
    %scan3A_6 = arith.constant 1 : i32
    %scan3A_7 = scf.for %scan3A_12 = %scan3A to %scan3A_5 step %scan3A_6 iter_args(%scan3A_13 = %broadcast_in_dim3A_3) -> (vector<16xf32>)  : i32 {
      %mul3A_14 = arith.constant 128 : i32
      %mul3A_15 = arith.muli %scan3A_12, %mul3A_14 : i32
      %add3A_16 = arith.addi %mul3A_2, %mul3A_15 : i32
      %mul3A_17 = arith.constant 128 : i32
      %mul3A_18 = arith.muli %scan3A_12, %mul3A_17 : i32
      %dma_start3A = tpu.memref_slice %arg7[%mul3A_18] : memref<512xi32, #tpu.memory_space<vmem>> -> memref<128xi32, #tpu.memory_space<vmem>>
      %dma_start3A_19 = arith.constant 0 : i32
      %dma_start3A_20 = arith.constant 0 : i32
      %dma_start3A_21 = tpu.memref_slice %arg2[%dma_start3A_19, %dma_start3A_20] : memref<8192x128xf32, #tpu.memory_space<hbm>> -> memref<8192x128xf32, #tpu.memory_space<hbm>>
      tpu.enqueue_indirect_dma source(%dma_start3A_21 : memref<8192x128xf32, #tpu.memory_space<hbm>>) target(%arg8 : memref<128x128xf32, #tpu.memory_space<vmem>>) offsets(%dma_start3A : memref<128xi32, #tpu.memory_space<vmem>>) semaphore(%arg12 : memref<!tpu.dma_semaphore, #tpu.memory_space<semaphore_mem>>)
      %dma_wait3A = tpu.memref_slice %arg7[%mul3A_18] : memref<512xi32, #tpu.memory_space<vmem>> -> memref<128xi32, #tpu.memory_space<vmem>>
      %dma_wait3A_22 = arith.constant 0 : i32
      %dma_wait3A_23 = arith.constant 0 : i32
      %dma_wait3A_24 = tpu.memref_slice %arg2[%dma_wait3A_22, %dma_wait3A_23] : memref<8192x128xf32, #tpu.memory_space<hbm>> -> memref<8192x128xf32, #tpu.memory_space<hbm>>
      tpu.wait_indirect_dma semaphore(%arg12 : memref<!tpu.dma_semaphore, #tpu.memory_space<semaphore_mem>>) src(%dma_wait3A_24 : memref<8192x128xf32, #tpu.memory_space<hbm>>) dst(%arg8 : memref<128x128xf32, #tpu.memory_space<vmem>>)
      "tpu.region"() ({
        %run_scoped3A = tpu.sem_alloc : memref<!tpu.dma_semaphore, #tpu.memory_space<semaphore_mem>>
        %dma_start3A_31 = arith.constant 0 : i32
        %dma_start3A_32 = tpu.memref_slice %arg4[%add3A_16, %dma_start3A_31] : memref<16384x64xf32, #tpu.memory_space<hbm>> -> memref<128x64xf32, #tpu.memory_space<hbm>>
        %dma_start3A_33 = arith.constant 0 : i32
        %dma_start3A_34 = tpu.memref_slice %arg4[%add3A_16, %dma_start3A_33] : memref<16384x64xf32, #tpu.memory_space<hbm>> -> memref<128x64xf32, #tpu.memory_space<hbm>>
        tpu.enqueue_dma source(%dma_start3A_34 : memref<128x64xf32, #tpu.memory_space<hbm>>) target(%arg9 : memref<128x64xf32, #tpu.memory_space<vmem>>) target_semaphore(%run_scoped3A : memref<!tpu.dma_semaphore, #tpu.memory_space<semaphore_mem>>)
        %dma_wait3A_35 = arith.constant 0 : i32
        %dma_wait3A_36 = tpu.memref_slice %arg4[%add3A_16, %dma_wait3A_35] : memref<16384x64xf32, #tpu.memory_space<hbm>> -> memref<128x64xf32, #tpu.memory_space<hbm>>
        %dma_wait3A_37 = arith.constant 0 : i32
        %dma_wait3A_38 = tpu.memref_slice %arg4[%add3A_16, %dma_wait3A_37] : memref<16384x64xf32, #tpu.memory_space<hbm>> -> memref<128x64xf32, #tpu.memory_space<hbm>>
        tpu.wait_dma2 semaphore(%run_scoped3A : memref<!tpu.dma_semaphore, #tpu.memory_space<semaphore_mem>>) src(%dma_wait3A_38 : memref<128x64xf32, #tpu.memory_space<hbm>>) dst(%arg9 : memref<128x64xf32, #tpu.memory_space<vmem>>)
        tpu.yield
      }) : () -> ()
      %scan3A_25 = arith.constant 0 : i32
      %scan3A_26 = arith.constant 128 : i32
      %scan3A_27 = arith.addi %scan3A_25, %scan3A_26 : i32
      %scan3A_28 = arith.constant 1 : i32
      %scan3A_29 = scf.for %scan3A_31 = %scan3A_25 to %scan3A_27 step %scan3A_28 iter_args(%scan3A_32 = %scan3A_13) -> (vector<16xf32>)  : i32 {
        %get3A = arith.index_cast %scan3A_31 : i32 to index
        %get3A_33 = arith.constant 0 : index
        %get3A_34 = tpu.vector_load %arg8[%get3A, %get3A_33] {strides = array<i32>} : memref<128x128xf32, #tpu.memory_space<vmem>>, vector<1x16xf32>,
        %get3A_35 = vector.shape_cast %get3A_34 : vector<1x16xf32> to vector<16xf32>
        %get3A_36 = arith.index_cast %scan3A_31 : i32 to index
        %get3A_37 = arith.constant 0 : index
        %get3A_38 = tpu.vector_load %arg9[%get3A_36, %get3A_37] {strides = array<i32>} : memref<128x64xf32, #tpu.memory_space<vmem>>, vector<1x16xf32>,
        %get3A_39 = vector.shape_cast %get3A_38 : vector<1x16xf32> to vector<16xf32>
        %sub3A = arith.subf %get3A_35, %get3A_39 : vector<16xf32>
        %add3A_40 = arith.addf %get3A_39, %sub3A : vector<16xf32>
        %swap3A_41 = arith.index_cast %scan3A_31 : i32 to index
        %swap3A_42 = arith.constant 0 : index
        %swap3A_43 = tpu.vector_load %arg10[%swap3A_41, %swap3A_42] {strides = array<i32>} : memref<128x64xf32, #tpu.memory_space<vmem>>, vector<1x16xf32>,
        %swap3A_44 = vector.shape_cast %swap3A_43 : vector<1x16xf32> to vector<16xf32>
        %swap3A_45 = vector.shape_cast %add3A_40 : vector<16xf32> to vector<1x16xf32>
        tpu.vector_store %arg10[%swap3A_41, %swap3A_42], %swap3A_45 {strides = array<i32>} : memref<128x64xf32, #tpu.memory_space<vmem>>, vector<1x16xf32>,
        %mul3A_46 = arith.mulf %sub3A, %sub3A : vector<16xf32>
        %add3A_47 = arith.addf %scan3A_32, %mul3A_46 : vector<16xf32>
        %get3A_48 = arith.index_cast %scan3A_31 : i32 to index
        %get3A_49 = arith.constant 16 : index
        %get3A_50 = tpu.vector_load %arg8[%get3A_48, %get3A_49] {strides = array<i32>} : memref<128x128xf32, #tpu.memory_space<vmem>>, vector<1x16xf32>,
        %get3A_51 = vector.shape_cast %get3A_50 : vector<1x16xf32> to vector<16xf32>
        %get3A_52 = arith.index_cast %scan3A_31 : i32 to index
        %get3A_53 = arith.constant 16 : index
        %get3A_54 = tpu.vector_load %arg9[%get3A_52, %get3A_53] {strides = array<i32>} : memref<128x64xf32, #tpu.memory_space<vmem>>, vector<1x16xf32>,
        %get3A_55 = vector.shape_cast %get3A_54 : vector<1x16xf32> to vector<16xf32>
        %sub3A_56 = arith.subf %get3A_51, %get3A_55 : vector<16xf32>
        %add3A_57 = arith.addf %get3A_55, %sub3A_56 : vector<16xf32>
        %swap3A_58 = arith.index_cast %scan3A_31 : i32 to index
        %swap3A_59 = arith.constant 16 : index
        %swap3A_60 = tpu.vector_load %arg10[%swap3A_58, %swap3A_59] {strides = array<i32>} : memref<128x64xf32, #tpu.memory_space<vmem>>, vector<1x16xf32>,
        %swap3A_61 = vector.shape_cast %swap3A_60 : vector<1x16xf32> to vector<16xf32>
        %swap3A_62 = vector.shape_cast %add3A_57 : vector<16xf32> to vector<1x16xf32>
        tpu.vector_store %arg10[%swap3A_58, %swap3A_59], %swap3A_62 {strides = array<i32>} : memref<128x64xf32, #tpu.memory_space<vmem>>, vector<1x16xf32>,
        %mul3A_63 = arith.mulf %sub3A_56, %sub3A_56 : vector<16xf32>
        %add3A_64 = arith.addf %add3A_47, %mul3A_63 : vector<16xf32>
        %get3A_65 = arith.index_cast %scan3A_31 : i32 to index
        %get3A_66 = arith.constant 32 : index
        %get3A_67 = tpu.vector_load %arg8[%get3A_65, %get3A_66] {strides = array<i32>} : memref<128x128xf32, #tpu.memory_space<vmem>>, vector<1x16xf32>,
        %get3A_68 = vector.shape_cast %get3A_67 : vector<1x16xf32> to vector<16xf32>
        %get3A_69 = arith.index_cast %scan3A_31 : i32 to index
        %get3A_70 = arith.constant 32 : index
        %get3A_71 = tpu.vector_load %arg9[%get3A_69, %get3A_70] {strides = array<i32>} : memref<128x64xf32, #tpu.memory_space<vmem>>, vector<1x16xf32>,
        %get3A_72 = vector.shape_cast %get3A_71 : vector<1x16xf32> to vector<16xf32>
        %sub3A_73 = arith.subf %get3A_68, %get3A_72 : vector<16xf32>
        %add3A_74 = arith.addf %get3A_72, %sub3A_73 : vector<16xf32>
        %swap3A_75 = arith.index_cast %scan3A_31 : i32 to index
        %swap3A_76 = arith.constant 32 : index
        %swap3A_77 = tpu.vector_load %arg10[%swap3A_75, %swap3A_76] {strides = array<i32>} : memref<128x64xf32, #tpu.memory_space<vmem>>, vector<1x16xf32>,
        %swap3A_78 = vector.shape_cast %swap3A_77 : vector<1x16xf32> to vector<16xf32>
        %swap3A_79 = vector.shape_cast %add3A_74 : vector<16xf32> to vector<1x16xf32>
        tpu.vector_store %arg10[%swap3A_75, %swap3A_76], %swap3A_79 {strides = array<i32>} : memref<128x64xf32, #tpu.memory_space<vmem>>, vector<1x16xf32>,
        %mul3A_80 = arith.mulf %sub3A_73, %sub3A_73 : vector<16xf32>
        %add3A_81 = arith.addf %add3A_64, %mul3A_80 : vector<16xf32>
        %get3A_82 = arith.index_cast %scan3A_31 : i32 to index
        %get3A_83 = arith.constant 48 : index
        %get3A_84 = tpu.vector_load %arg8[%get3A_82, %get3A_83] {strides = array<i32>} : memref<128x128xf32, #tpu.memory_space<vmem>>, vector<1x16xf32>,
        %get3A_85 = vector.shape_cast %get3A_84 : vector<1x16xf32> to vector<16xf32>
        %get3A_86 = arith.index_cast %scan3A_31 : i32 to index
        %get3A_87 = arith.constant 48 : index
        %get3A_88 = tpu.vector_load %arg9[%get3A_86, %get3A_87] {strides = array<i32>} : memref<128x64xf32, #tpu.memory_space<vmem>>, vector<1x16xf32>,
        %get3A_89 = vector.shape_cast %get3A_88 : vector<1x16xf32> to vector<16xf32>
        %sub3A_90 = arith.subf %get3A_85, %get3A_89 : vector<16xf32>
        %add3A_91 = arith.addf %get3A_89, %sub3A_90 : vector<16xf32>
        %swap3A_92 = arith.index_cast %scan3A_31 : i32 to index
        %swap3A_93 = arith.constant 48 : index
        %swap3A_94 = tpu.vector_load %arg10[%swap3A_92, %swap3A_93] {strides = array<i32>} : memref<128x64xf32, #tpu.memory_space<vmem>>, vector<1x16xf32>,
        %swap3A_95 = vector.shape_cast %swap3A_94 : vector<1x16xf32> to vector<16xf32>
        %swap3A_96 = vector.shape_cast %add3A_91 : vector<16xf32> to vector<1x16xf32>
        tpu.vector_store %arg10[%swap3A_92, %swap3A_93], %swap3A_96 {strides = array<i32>} : memref<128x64xf32, #tpu.memory_space<vmem>>, vector<1x16xf32>,
        %mul3A_97 = arith.mulf %sub3A_90, %sub3A_90 : vector<16xf32>
        %add3A_98 = arith.addf %add3A_81, %mul3A_97 : vector<16xf32>
        scf.yield %add3A_98 : vector<16xf32>
      }
      %scan3A_30 = arith.constant 128 : i32
      "tpu.region"() ({
        %run_scoped3A = tpu.sem_alloc : memref<!tpu.dma_semaphore, #tpu.memory_space<semaphore_mem>>
        %dma_start3A_31 = arith.constant 0 : i32
        %dma_start3A_32 = tpu.memref_slice %arg5[%add3A_16, %dma_start3A_31] : memref<16384x64xf32, #tpu.memory_space<hbm>> -> memref<128x64xf32, #tpu.memory_space<hbm>>
        %dma_start3A_33 = arith.constant 0 : i32
        %dma_start3A_34 = tpu.memref_slice %arg5[%add3A_16, %dma_start3A_33] : memref<16384x64xf32, #tpu.memory_space<hbm>> -> memref<128x64xf32, #tpu.memory_space<hbm>>
        tpu.enqueue_dma source(%arg10 : memref<128x64xf32, #tpu.memory_space<vmem>>) target(%dma_start3A_34 : memref<128x64xf32, #tpu.memory_space<hbm>>) target_semaphore(%run_scoped3A : memref<!tpu.dma_semaphore, #tpu.memory_space<semaphore_mem>>)
        %dma_wait3A_35 = arith.constant 0 : i32
        %dma_wait3A_36 = tpu.memref_slice %arg5[%add3A_16, %dma_wait3A_35] : memref<16384x64xf32, #tpu.memory_space<hbm>> -> memref<128x64xf32, #tpu.memory_space<hbm>>
        %dma_wait3A_37 = arith.constant 0 : i32
        %dma_wait3A_38 = tpu.memref_slice %arg5[%add3A_16, %dma_wait3A_37] : memref<16384x64xf32, #tpu.memory_space<hbm>> -> memref<128x64xf32, #tpu.memory_space<hbm>>
        tpu.wait_dma2 semaphore(%run_scoped3A : memref<!tpu.dma_semaphore, #tpu.memory_space<semaphore_mem>>) src(%arg10 : memref<128x64xf32, #tpu.memory_space<vmem>>) dst(%dma_wait3A_38 : memref<128x64xf32, #tpu.memory_space<hbm>>)
        tpu.yield
      }) : () -> ()
      scf.yield %scan3A_29 : vector<16xf32>
    }
    %scan3A_8 = arith.constant 4 : i32
    %swap3A = arith.constant 0 : index
    %swap3A_9 = tpu.vector_load %arg11[%swap3A] {strides = array<i32>} : memref<16xf32, #tpu.memory_space<vmem>>, vector<16xf32>,
    %swap3A_10 = vector.shape_cast %swap3A_9 : vector<16xf32> to vector<16xf32>
    %swap3A_11 = vector.shape_cast %scan3A_7 : vector<16xf32> to vector<16xf32>
    tpu.vector_store %arg11[%swap3A], %swap3A_11 {strides = array<i32>} : memref<16xf32, #tpu.memory_space<vmem>>, vector<16xf32>,
    "tpu.region"() ({
      %run_scoped3A = tpu.sem_alloc : memref<!tpu.dma_semaphore, #tpu.memory_space<semaphore_mem>>
      %dma_start3A = arith.constant 0 : i32
      %dma_start3A_12 = tpu.memref_slice %arg6[%add3A, %dma_start3A] : memref<32x16xf32, #tpu.memory_space<hbm>> -> memref<1x16xf32, #tpu.memory_space<hbm>>
      %dma_start3A_13 = tpu.memref_squeeze %dma_start3A_12 : memref<1x16xf32, #tpu.memory_space<hbm>> -> memref<16xf32, #tpu.memory_space<hbm>>
      %dma_start3A_14 = arith.constant 0 : i32
      %dma_start3A_15 = tpu.memref_slice %arg6[%add3A, %dma_start3A_14] : memref<32x16xf32, #tpu.memory_space<hbm>> -> memref<1x16xf32, #tpu.memory_space<hbm>>
      %dma_start3A_16 = tpu.memref_squeeze %dma_start3A_15 : memref<1x16xf32, #tpu.memory_space<hbm>> -> memref<16xf32, #tpu.memory_space<hbm>>
      tpu.enqueue_dma source(%arg11 : memref<16xf32, #tpu.memory_space<vmem>>) target(%dma_start3A_16 : memref<16xf32, #tpu.memory_space<hbm>>) target_semaphore(%run_scoped3A : memref<!tpu.dma_semaphore, #tpu.memory_space<semaphore_mem>>)
      %dma_wait3A = arith.constant 0 : i32
      %dma_wait3A_17 = tpu.memref_slice %arg6[%add3A, %dma_wait3A] : memref<32x16xf32, #tpu.memory_space<hbm>> -> memref<1x16xf32, #tpu.memory_space<hbm>>
      %dma_wait3A_18 = tpu.memref_squeeze %dma_wait3A_17 : memref<1x16xf32, #tpu.memory_space<hbm>> -> memref<16xf32, #tpu.memory_space<hbm>>
      %dma_wait3A_19 = arith.constant 0 : i32
      %dma_wait3A_20 = tpu.memref_slice %arg6[%add3A, %dma_wait3A_19] : memref<32x16xf32, #tpu.memory_space<hbm>> -> memref<1x16xf32, #tpu.memory_space<hbm>>
      %dma_wait3A_21 = tpu.memref_squeeze %dma_wait3A_20 : memref<1x16xf32, #tpu.memory_space<hbm>> -> memref<16xf32, #tpu.memory_space<hbm>>
      tpu.wait_dma2 semaphore(%run_scoped3A : memref<!tpu.dma_semaphore, #tpu.memory_space<semaphore_mem>>) src(%arg11 : memref<16xf32, #tpu.memory_space<vmem>>) dst(%dma_wait3A_21 : memref<16xf32, #tpu.memory_space<hbm>>)
      tpu.yield
    }) : () -> ()
    return
  }
}

module attributes {stable_mosaic.version = 14 : i64} {
  func.func @_tc_body(%arg0: i32, %arg1: memref<256x64xbf16, #tpu.memory_space<vmem>>, %arg2: memref<8192x64xbf16, #tpu.memory_space<vmem>>, %arg3: memref<256x8192xf32, #tpu.memory_space<vmem>>, %arg4: memref<256xi32, #tpu.memory_space<vmem>>, %arg5: memref<1x1xf32, #tpu.memory_space<vmem>>, %arg6: memref<1x8192xf32, #tpu.memory_space<vmem>>) attributes {dimension_semantics = [#tpu.dimension_semantics<arbitrary>], iteration_bounds = array<i64: 64>, scalar_prefetch = 0 : i64, scratch_operands = 1 : i64, tpu.core_type = #tpu.core_type<tc>, window_params = [{transform_indices = @transform_0, window_bounds = array<i64: 256, 64>}, {pipeline_mode = #tpu.pipeline_mode<synchronous>, transform_indices = @transform_1, window_bounds = array<i64: 8192, 64>}, {transform_indices = @transform_2, window_bounds = array<i64: 256, 8192>}, {transform_indices = @transform_3, window_bounds = array<i64: 256>}, {pipeline_mode = #tpu.pipeline_mode<synchronous>, transform_indices = @transform_4, window_bounds = array<i64: 1, 1>}]} {
    %get3A = arith.constant 0 : index
    %get3A_0 = arith.constant 0 : index
    %get3A_1 = vector.load %arg1[%get3A, %get3A_0] : memref<256x64xbf16, #tpu.memory_space<vmem>>, vector<256x64xbf16>
    %get3A_2 = arith.constant 0 : index
    %get3A_3 = arith.constant 0 : index
    %get3A_4 = vector.load %arg2[%get3A_2, %get3A_3] : memref<8192x64xbf16, #tpu.memory_space<vmem>>, vector<8192x64xbf16>
    %dot_general3A = arith.constant dense<0.000000e+00> : vector<256x8192xf32>
    %dot_general3A_5 = tpu.matmul %get3A_1, %get3A_4, %dot_general3A {dimension_numbers = #tpu.dot_dimension_numbers<[1], [1], [0], [0], [0, 0, 1, 0], [], []>, transpose_lhs_hint = false} : vector<256x64xbf16>, vector<8192x64xbf16>, vector<256x8192xf32> -> vector<256x8192xf32>
    %reduce_max3A = arith.constant dense<0xFF800000> : vector<256xf32>
    %reduce_max3A_6 = vector.multi_reduction <maximumf>, %dot_general3A_5, %reduce_max3A [1] : vector<256x8192xf32> to vector<256xf32>
    %broadcast_in_dim3A = vector.shape_cast %reduce_max3A_6 : vector<256xf32> to vector<256x1xf32>
    %iota3A = tpu.iota {dimensions = array<i32: 1>} : vector<256x8192xi32>
    %ge3A = vector.broadcast %broadcast_in_dim3A : vector<256x1xf32> to vector<256x8192xf32>
    %ge3A_7 = arith.cmpf oge, %dot_general3A_5, %ge3A : vector<256x8192xf32>
    %jit3A = arith.constant -1 : i32
    %broadcast_in_dim3A_8 = vector.broadcast %jit3A : i32 to vector<256x8192xi32>
    %select_n3A = arith.select %ge3A_7, %iota3A, %broadcast_in_dim3A_8 : vector<256x8192xi1>, vector<256x8192xi32>
    %reduce_max3A_9 = arith.constant dense<-2147483648> : vector<256xi32>
    %reduce_max3A_10 = vector.multi_reduction <maxsi>, %select_n3A, %reduce_max3A_9 [1] : vector<256x8192xi32> to vector<256xi32>
    %swap3A = arith.constant 0 : index
    %swap3A_11 = vector.load %arg4[%swap3A] : memref<256xi32, #tpu.memory_space<vmem>>, vector<256xi32>
    tpu.vector_store %arg4[%swap3A], %reduce_max3A_10 {strides = array<i32>} : memref<256xi32, #tpu.memory_space<vmem>>, vector<256xi32>,
    %broadcast_in_dim3A_12 = vector.shape_cast %reduce_max3A_10 : vector<256xi32> to vector<256x1xi32>
    %eq3A = vector.broadcast %broadcast_in_dim3A_12 : vector<256x1xi32> to vector<256x8192xi32>
    %eq3A_13 = arith.cmpi eq, %iota3A, %eq3A : vector<256x8192xi32>
    %convert_element_type3A = arith.extui %eq3A_13 : vector<256x8192xi1> to vector<256x8192xi32>
    %convert_element_type3A_14 = arith.sitofp %convert_element_type3A : vector<256x8192xi32> to vector<256x8192xf32>
    %swap3A_15 = arith.constant 0 : index
    %swap3A_16 = arith.constant 0 : index
    %swap3A_17 = vector.load %arg3[%swap3A_15, %swap3A_16] : memref<256x8192xf32, #tpu.memory_space<vmem>>, vector<256x8192xf32>
    tpu.vector_store %arg3[%swap3A_15, %swap3A_16], %convert_element_type3A_14 {strides = array<i32>} : memref<256x8192xf32, #tpu.memory_space<vmem>>, vector<256x8192xf32>,
    %eq3A_18 = arith.constant 0 : i32
    %eq3A_19 = arith.cmpi eq, %arg0, %eq3A_18 : i32
    %convert_element_type3A_20 = arith.extui %eq3A_19 : i1 to i32
    %cond3A = arith.constant 0 : i32
    %cond3A_21 = arith.cmpi ne, %convert_element_type3A_20, %cond3A : i32
    scf.if %cond3A_21 {
      %broadcast_in_dim3A_35 = arith.constant 0.000000e+00 : f32
      %broadcast_in_dim3A_36 = vector.broadcast %broadcast_in_dim3A_35 : f32 to vector<1x8192xf32>
      %swap3A_37 = arith.constant 0 : index
      %swap3A_38 = arith.constant 0 : index
      %swap3A_39 = vector.load %arg6[%swap3A_37, %swap3A_38] : memref<1x8192xf32, #tpu.memory_space<vmem>>, vector<1x8192xf32>
      tpu.vector_store %arg6[%swap3A_37, %swap3A_38], %broadcast_in_dim3A_36 {strides = array<i32>} : memref<1x8192xf32, #tpu.memory_space<vmem>>, vector<1x8192xf32>,
      %broadcast_in_dim3A_40 = arith.constant 0.000000e+00 : f32
      %broadcast_in_dim3A_41 = vector.broadcast %broadcast_in_dim3A_40 : f32 to vector<1x1xf32>
      %swap3A_42 = arith.constant 0 : index
      %swap3A_43 = arith.constant 0 : index
      %swap3A_44 = vector.load %arg5[%swap3A_42, %swap3A_43] : memref<1x1xf32, #tpu.memory_space<vmem>>, vector<1x1xf32>
      tpu.vector_store %arg5[%swap3A_42, %swap3A_43], %broadcast_in_dim3A_41 {strides = array<i32>} : memref<1x1xf32, #tpu.memory_space<vmem>>, vector<1x1xf32>,
    } else {
    }
    %get3A_22 = arith.constant 0 : index
    %get3A_23 = arith.constant 0 : index
    %get3A_24 = vector.load %arg6[%get3A_22, %get3A_23] : memref<1x8192xf32, #tpu.memory_space<vmem>>, vector<1x8192xf32>
    %reduce_sum3A = arith.constant dense<0.000000e+00> : vector<8192xf32>
    %reduce_sum3A_25 = vector.multi_reduction <add>, %convert_element_type3A_14, %reduce_sum3A [0] : vector<256x8192xf32> to vector<8192xf32>
    %broadcast_in_dim3A_26 = vector.shape_cast %reduce_sum3A_25 : vector<8192xf32> to vector<1x8192xf32>
    %add3A = arith.addf %get3A_24, %broadcast_in_dim3A_26 : vector<1x8192xf32>
    %swap3A_27 = arith.constant 0 : index
    %swap3A_28 = arith.constant 0 : index
    %swap3A_29 = vector.load %arg6[%swap3A_27, %swap3A_28] : memref<1x8192xf32, #tpu.memory_space<vmem>>, vector<1x8192xf32>
    tpu.vector_store %arg6[%swap3A_27, %swap3A_28], %add3A {strides = array<i32>} : memref<1x8192xf32, #tpu.memory_space<vmem>>, vector<1x8192xf32>,
    %eq3A_30 = arith.constant 63 : i32
    %eq3A_31 = arith.cmpi eq, %arg0, %eq3A_30 : i32
    %convert_element_type3A_32 = arith.extui %eq3A_31 : i1 to i32
    %cond3A_33 = arith.constant 0 : i32
    %cond3A_34 = arith.cmpi ne, %convert_element_type3A_32, %cond3A_33 : i32
    scf.if %cond3A_34 {
      %get3A_35 = arith.constant 0 : index
      %get3A_36 = arith.constant 0 : index
      %get3A_37 = vector.load %arg6[%get3A_35, %get3A_36] : memref<1x8192xf32, #tpu.memory_space<vmem>>, vector<1x8192xf32>
      %mul3A = arith.constant 6.10351563E-5 : f32
      %mul3A_38 = vector.broadcast %mul3A : f32 to vector<1x8192xf32>
      %mul3A_39 = arith.mulf %get3A_37, %mul3A_38 : vector<1x8192xf32>
      %add3A_40 = arith.constant 1.000000e-10 : f32
      %add3A_41 = vector.broadcast %add3A_40 : f32 to vector<1x8192xf32>
      %add3A_42 = arith.addf %mul3A_39, %add3A_41 : vector<1x8192xf32>
      %log3A = math.log %add3A_42 : vector<1x8192xf32>
      %mul3A_43 = arith.mulf %mul3A_39, %log3A : vector<1x8192xf32>
      %reduce_sum3A_44 = vector.shape_cast %mul3A_43 : vector<1x8192xf32> to vector<1x1x8192xf32>
      %reduce_sum3A_45 = arith.constant dense<0.000000e+00> : vector<1xf32>
      %reduce_sum3A_46 = vector.multi_reduction <add>, %reduce_sum3A_44, %reduce_sum3A_45 [1, 2] : vector<1x1x8192xf32> to vector<1xf32>
      %reduce_sum3A_47 = vector.shape_cast %reduce_sum3A_46 : vector<1xf32> to vector<1x1x1xf32>
      %reduce_sum3A_48 = vector.extract %reduce_sum3A_47[0, 0, 0] : f32 from vector<1x1x1xf32>
      %neg3A = arith.constant 0.000000e+00 : f32
      %neg3A_49 = arith.subf %neg3A, %reduce_sum3A_48 : f32
      %exp3A = math.exp %neg3A_49 : f32
      %reshape3A = vector.broadcast %exp3A : f32 to vector<1x1xf32>
      %swap3A_50 = arith.constant 0 : index
      %swap3A_51 = arith.constant 0 : index
      %swap3A_52 = vector.load %arg5[%swap3A_50, %swap3A_51] : memref<1x1xf32, #tpu.memory_space<vmem>>, vector<1x1xf32>
      tpu.vector_store %arg5[%swap3A_50, %swap3A_51], %reshape3A {strides = array<i32>} : memref<1x1xf32, #tpu.memory_space<vmem>>, vector<1x1xf32>,
    } else {
    }
    return
  }
  func.func @transform_0(%arg0: i32) -> (i32, i32) {
    %c0_i32 = arith.constant 0 : i32
    %c0_i32_0 = arith.constant 0 : i32
    return %arg0, %c0_i32 : i32, i32
  }
  func.func @transform_1(%arg0: i32) -> (i32, i32) {
    %c0_i32 = arith.constant 0 : i32
    %c0_i32_0 = arith.constant 0 : i32
    %c0_i32_1 = arith.constant 0 : i32
    return %c0_i32, %c0_i32_0 : i32, i32
  }
  func.func @transform_2(%arg0: i32) -> (i32, i32) {
    %c0_i32 = arith.constant 0 : i32
    %c0_i32_0 = arith.constant 0 : i32
    return %arg0, %c0_i32 : i32, i32
  }
  func.func @transform_3(%arg0: i32) -> i32 {
    %c0_i32 = arith.constant 0 : i32
    return %arg0 : i32
  }
  func.func @transform_4(%arg0: i32) -> (i32, i32) {
    %c0_i32 = arith.constant 0 : i32
    %c0_i32_0 = arith.constant 0 : i32
    %c0_i32_1 = arith.constant 0 : i32
    return %c0_i32, %c0_i32_0 : i32, i32
  }
}

</mosaic_0001>

<sc_bundles>
// kernel: kernel.4.cloned.1.call-start
scs
__scs_entry_jumppad:
0x0: {  	(pc) =	sbr.rel $0x88, $3  }
0x1: {  	(tag) =	ssettag $0x0;
	lr =	simm.s32 $0x1  }
0x2: {  	[smem:$0x3F9F] =	sst lr;
	_ =	strace $0xD0000000  }
0x3: {  	_ = 	snop  }
0x4: {  	_ = 	snop  }
0x5: {  	_ = 	snop  }
0x6: {  	_ = 	snop  }
0x7: {  	_ = 	snop  }
__scs_overlays_trampoline_lowered:
0x8: {  	[smem:$0x3FAE] =	sst s0  }
0x9: {  	[smem:$0x3FAF] =	sst s1  }
0xa: {  	[smem:$0x3FB0] =	sst s2  }
0xb: {  	[smem:$0x3FB1] =	sst s3  }
0xc: {  	[smem:$0x3FB2] =	sst s4  }
0xd: {  	[smem:$0x3FB3] =	sst s5  }
0xe: {  	[smem:$0x3FB4] =	sst s6  }
0xf: {  	[smem:$0x3FB5] =	sst s7  }
0x10: {  	[smem:$0x3FB6] =	sst s8  }
0x11: {  	[smem:$0x3FB7] =	sst s9;
	s0 =	simm.s32 @!p0 $0x0  }
0x12: {  	s1 =	sld [smem:$0x3F9D];
	s0 =	simm.s32 @p0 $0x1  }
0x13: {  	[smem:$0x3FB8] =	sst s0;
	s0 =	simm.s32 @!p1 $0x0  }
0x14: {  	s2 =	sld [smem:$0x3F9C];
	s0 =	simm.s32 @p1 $0x1  }
0x15: {  	[smem:$0x3FB9] =	sst s0;
	s0 =	simm.s32 @!p2 $0x0  }
0x16: {  	s3 =	sld [smem:$0x3FDB];
	s0 =	simm.s32 @p2 $0x1  }
0x17: {  	s4 =	simm.s32 $0x1BF5;
	[smem:$0x3FBB] =	sst s0  }
0x18: {  	s0 =	sld [smem:$0x3F9E];
	_ =	swait.ge [sflag:s4], $0x0  }
0x19: {  	s7 =	sld [smem:$0x3F9F]  }
0x1a: {  	s8 =	sadd.s32 $0xFFFFE003, lr  }
0x1b: {  	s9 =	sadd.s32 $0xFFFFFEF7, lr;
	s5 =	simm.s32 $0xFFFFFFFF;
	p2 =	slt.u32 s8, $0xFFFFF086  }
0x1c: {  	p1 =	slt.u32 s9, $0xF7A;
	s5 =	simm.s32 @!p2 $0x0  }
0x1d: {  	s5 =	simm.s32 @p1 $0x1;
	p0 =	seq.s32 s7, s2  }
0x1e: {  	s7 =	smul.u32 @!p0 $0xF7A, s2;
	p2 =	seq.s32 @!p0 s5, $0x0  }
0x1f: {  	s9 =	smul.u32 $0xF7A, s1;
	s8 =	simm.s32 @!p0 $0x1BF5;
	p2 =	por !p2, p0  }
0x20: {  	[sflag:s8] =	ssyncset.s32 @!p0 $0xFFFFF086;
	s6 =	sadd.s32 @!p0 s3, s7;
	s7 =	simm.s32 @!p0 $0x108  }
0x21: {  	s3 =	sadd.s32 s3, s9;
	s6 =	sadd.s32 @!p0 $0x88, s6;
	s7 =	simm.s32 @p2 $0x1082  }
0x22: {  	[simem:s7], [sflag:s8] =	dma.local @!p0 [hbm:s6], $0xF7A  }
0x23: {  	s9 =	sor.u32 $0xD0000000, s2;
	s6 =	simm.s32 $0x108;
	_ =	swait.ge @!p0 [sflag:s8], $0x0  }
0x24: {  	s3 =	sadd.s32 $0x88, s3;
	s6 =	simm.s32 @!p1 $0x1082;
	[sflag:s4] =	ssyncset.s32 $0xFFFFF086  }
0x25: {  	[simem:s6], [sflag:s4] =	dma.local [hbm:s3], $0xF7A  }
0x26: {  	[smem:$0x3F9F] =	sst s1;
	(tag) =	ssettag s2;
	_ =	strace s9  }
0x27: {  	s1 =	sld [smem:$0x3FAF]  }
0x28: {  	s2 =	sld [smem:$0x3FB0]  }
0x29: {  	s4 =	sld [smem:$0x3FB2]  }
0x2a: {  	p0 =	seq.s32 s5, $0x0;
	s5 =	sld [smem:$0x3FB3]  }
0x2b: {  	s6 =	sld [smem:$0x3FB4]  }
0x2c: {  	s7 =	sld [smem:$0x3FB5]  }
0x2d: {  	s3 =	simm.s32 $0x108;
	s8 =	sld [smem:$0x3FB6]  }
0x2e: {  	s3 =	simm.s32 @!p0 $0x1082;
	s9 =	sld [smem:$0x3FB7]  }
0x2f: {  	lr =	sadd.s32 s0, s3;
	s0 =	sld [smem:$0x3FAE]  }
0x30: {  	s3 =	sld [smem:$0x3FB1]  }
0x31: {  	[smem:$0x3FBA] =	sst s10  }
0x32: {  	s10 =	sld [smem:$0x3FB8];
	_ =	sdelay $0x3  }
0x33: {  	p0 =	seq.s32 s10, $0x1;
	s10 =	sld [smem:$0x3FBA];
	_ =	sdelay $0x3  }
0x34: {  	[smem:$0x3FBA] =	sst s10  }
0x35: {  	s10 =	sld [smem:$0x3FB9];
	_ =	sdelay $0x3  }
0x36: {  	p1 =	seq.s32 s10, $0x1;
	s10 =	sld [smem:$0x3FBA];
	_ =	sdelay $0x3  }
0x37: {  	[smem:$0x3FBA] =	sst s10  }
0x38: {  	s10 =	sld [smem:$0x3FBB]  }
0x39: {  	_ = 	snop;
	(pc) =	sbr.ind lr, $3  }
0x3a: {  	_ = 	snop  }
0x3b: {  	_ = 	snop  }
0x3c: {  	p2 =	seq.s32 s10, $0x1;
	s10 =	sld [smem:$0x3FBA]  }
0x3d: {  	_ =	shalt  }
0x3e: {  	_ =	shalt  }
0x3f: {  	_ =	shalt  }
0x40: {  	_ =	shalt  }
0x41: {  	_ =	shalt  }
0x42: {  	_ =	shalt  }
0x43: {  	_ =	shalt  }
0x44: {  	_ =	shalt  }
0x45: {  	_ =	shalt  }
0x46: {  	_ =	shalt  }
0x47: {  	_ =	shalt  }
0x48: {  	_ =	shalt  }
0x49: {  	_ =	shalt  }
0x4a: {  	_ =	shalt  }
0x4b: {  	_ =	shalt  }
0x4c: {  	_ =	shalt  }
0x4d: {  	_ =	shalt  }
0x4e: {  	_ =	shalt  }
0x4f: {  	_ =	shalt  }
0x50: {  	_ =	shalt  }
0x51: {  	_ =	shalt  }
0x52: {  	_ =	shalt  }
0x53: {  	_ =	shalt  }
0x54: {  	_ =	shalt  }
0x55: {  	_ =	shalt  }
0x56: {  	_ =	shalt  }
0x57: {  	_ =	shalt  }
0x58: {  	_ =	shalt  }
0x59: {  	_ =	shalt  }
0x5a: {  	_ =	shalt  }
0x5b: {  	_ =	shalt  }
0x5c: {  	_ =	shalt  }
0x5d: {  	_ =	shalt  }
0x5e: {  	_ =	shalt  }
0x5f: {  	_ =	shalt  }
0x60: {  	_ =	shalt  }
0x61: {  	_ =	shalt  }
0x62: {  	_ =	shalt  }
0x63: {  	_ =	shalt  }
0x64: {  	_ =	shalt  }
0x65: {  	_ =	shalt  }
0x66: {  	_ =	shalt  }
0x67: {  	_ =	shalt  }
0x68: {  	_ =	shalt  }
0x69: {  	_ =	shalt  }
0x6a: {  	_ =	shalt  }
0x6b: {  	_ =	shalt  }
0x6c: {  	_ =	shalt  }
0x6d: {  	_ =	shalt  }
0x6e: {  	_ =	shalt  }
0x6f: {  	_ =	shalt  }
0x70: {  	_ =	shalt  }
0x71: {  	_ =	shalt  }
0x72: {  	_ =	shalt  }
0x73: {  	_ =	shalt  }
0x74: {  	_ =	shalt  }
0x75: {  	_ =	shalt  }
0x76: {  	_ =	shalt  }
0x77: {  	_ =	shalt  }
0x78: {  	_ =	shalt  }
0x79: {  	_ =	shalt  }
0x7a: {  	_ =	shalt  }
0x7b: {  	_ =	shalt  }
0x7c: {  	_ =	shalt  }
0x7d: {  	_ =	shalt  }
0x7e: {  	_ =	shalt  }
0x7f: {  	_ =	shalt  }
0x80: {  	_ =	shalt  }
0x81: {  	_ =	shalt  }
0x82: {  	_ =	shalt  }
0x83: {  	_ =	shalt  }
0x84: {  	_ =	shalt  }
0x85: {  	_ =	shalt  }
0x86: {  	_ =	shalt  }
0x87: {  	_ =	shalt  }
.Lfunc_end0:
.L_simem_size_0:
called_computation_lowered:
.L_overlay_start_0:
0x88: {  	s2 =	sld [smem:$0x3FD9]  }
0x89: {  	s3 =	sld [smem:$0x3FFE];
	_ =	sdelay $0x1  }
0x8a: {  	s1 =	srdreg.scid  }
0x8b: {  	s0 =	sand.u32 $0x1, s1  }
0x8c: {  	s14 =	sshll.u32 s0, $0xA;
	s2 =	sadd.s32 s3, s2  }
0x8d: {  	s2 =	sadd.s32 s2, s14  }
0x8e: {  	[smem:$0x3FC6] =	sst s2  }
0x8f: {  	_ = 	snop  }
0x90: {  	s2 =	sld [smem:$0x3FD0];
	_ =	sdelay $0x2  }
0x91: {  	s15 =	simm.s32 $0xA;
	s4 =	simm.s32 $0x10  }
0x92: {  	[smem:s4], [sflag:s15] =	dma.local [hbm:s2], $0x1  }
0x93: {  	_ =	swait.eq [sflag:s15], $0x1  }
0x94: {  	[sflag:s15] =	ssyncset.done $0x0  }
0x95: {  	s16 =	sld [smem:$0x10];
	[sflag:s15] =	ssyncadd.s32 $0xFFFFFFFF  }
0x96: {  	s17 =	sld [smem:$0x14];
	(tm) =	ssettm $0x1  }
0x97: {  	s18 =	sld [smem:$0x3FFB];
	_ =	sdelay $0x3  }
0x98: {  	_ =	strace s18  }
0x99: {  	s4 =	sld [smem:$0x3FFC];
	_ =	sdelay $0x3  }
0x9a: {  	_ =	strace s4  }
0x9b: {  	s4 =	sld [smem:$0x3FFD];
	_ =	sdelay $0x3  }
0x9c: {  	_ =	strace s4  }
0x9d: {  	_ =	strace $0x8FFFFFFF  }
0x9e: {  	s19 =	sld [smem:$0x3FDB];
	_ =	sdelay $0x1  }
0x9f: {  	s5 =	simm.s32 $_scs_section_size  }
0xa0: {  	s6 =	simm.s32 $_size__tile_overlayer_lowered;
	s7 =	simm.s32 $_tile_overlayer_lowered  }
0xa1: {  	s22 =	simm.s32 $0x1BFF;
	s21 =	sshll.u32 s7, $0x1;
	s4 =	sadd.s32 s5, s19  }
0xa2: {  	s8 =	simm.s32 $0x0;
	s20 =	sshll.u32 s6, $0x1;
	s6 =	sadd.s32 s21, s4  }
0xa3: {  	[timem:s8], [sflag:s22] =	dma.local [hbm:s6], s20  }
0xa4: {  	_ =	swait.ge [sflag:s22], s20  }
0xa5: {  	s5 =	ssub.s32 $0x0, s20;
	[sflag:s22] =	ssyncset.done $0x0  }
0xa6: {  	[sflag:s22] =	ssyncadd.s32 s5;
	_ =	sdelay $0x1  }
0xa7: {  	s23 =	simm.s32 $0x1B8B  }
0xa8: {  	_ =	swait.ge [sflag:s23], $0x1  }
0xa9: {  	[sflag:s23] =	ssyncset.done $0x0  }
0xaa: {  	s25 =	simm.s32 $0x1B8E;
	s24 =	sld [smem:$0x3FFE];
	[sflag:s23] =	ssyncadd.s32 $0xFFFFFFFF  }
0xab: {  	s26 =	simm.s32 $execute0_lowered;
	[smem:$0x3FD2] =	sst s25  }
0xac: {  	s6 =	sshll.u32 s26, $0x1;
	_ =	strace $0x80000046;
	[dreg:$0x1] =	wrdreg $0xFFFFFFFF  }
0xad: {  	s28 =	simm.s32 $_size_execute0_lowered;
	s4 =	sadd.s32 s4, s6;
	[dreg:$0x0] =	wrdreg $0x0  }
0xae: {  	s6 =	sshll.u32 s28, $0x1;
	[dreg:$0x2] =	wrdreg s4  }
0xaf: {  	[dreg:$0x3] =	wrdreg s6  }
0xb0: {  	[dreg:$0x4] =	wrdreg $0xC0  }
0xb1: {  	_ =	task [dreg:s8], $0x5FFFF  }
0xb2: {  	[dreg:$0x1] =	wrdreg $0xFFFFFFFF  }
0xb3: {  	[dreg:$0x0] =	wrdreg $0x60  }
0xb4: {  	[dreg:$0x2] =	wrdreg s16  }
0xb5: {  	[dreg:$0x3] =	wrdreg s17  }
0xb6: {  	[dreg:$0x4] =	wrdreg s24  }
0xb7: {  	[dreg:$0x5] =	wrdreg $0x9  }
0xb8: {  	_ =	task.clear_ibuf [dreg:s8], $0x6FFFF;
	_ =	strace $0x90000046  }
0xb9: {  	s29 =	simm.s32 $0x9;
	_ =	strace $0x80000048  }
0xba: {  	_ =	swait.ge [sflag:s29], $0x1  }
0xbb: {  	[sflag:s29] =	ssyncadd.s32 $0xFFFFFFFF  }
0xbc: {  	_ =	strace $0x90000048  }
0xbd: {  	_ =	sfence  }
0xbe: {  	s30 =	sld [smem:$0x0];
	_ =	sdelay $0x2  }
0xbf: {  	s31 =	sshll.u32 s1, $0xD;
	s1 =	sshrl.u32 s1, $0x2  }
0xc0: {  	s3 =	sand.u32 $0x4000, s31;
	s1 =	sadd.s32 s1, s30  }
0xc1: {  	s0 =	sor.u32 s3, s0;
	s1 =	sshll.u32 s1, $0x11  }
0xc2: {  	s0 =	sor.u32 s1, s0  }
0xc3: {  	s0 =	sadd.s32 $0x8F2B, s0  }
0xc4: {  	[sflag:s0] =	ssyncadd.remote.s32 $0x1  }
0xc5: {  	_ =	sfence.sel $0xFFFF  }
0xc6: {  	[dreg:$0x0] =	wrdreg $0xFFFFFFFF;
	(pc) =	sbr.abs _section_cstart, $3  }
0xc7: {  	[dreg:$0x1] =	wrdreg $0xFFFFFFFF  }
0xc8: {  	_ =	task.clear_ibuf [dreg:s8], $0x2FFFF;
	_ =	strace $0x9FFFFFFF  }
0xc9: {  	(tm) =	ssettm $0x7FFFFFFF  }
tec
execute0_lowered:
.L_overlay_start_1:
0x0: {  	(tag) =	ssettag $0x1  }
0x1: {  	s1 =	rddreg [dreg:$0x0]  }
0x2: {  	s6 =	rddreg [dreg:$0x1]  }
0x3: {  	s7 =	rddreg [dreg:$0x2]  }
0x4: {  	s0 =	rddreg [dreg:$0x3];
	s3 =	simm.s32 $0x0  }
0x5: {  	s4 =	srdreg.scid;
	s2 =	stileid.u32;
	s12 =	simm.s32 $0x200  }
0x6: {  	s13 =	simm.s32 $0x1;
	s14 =	simm.s32 $0x4200;
	s15 =	simm.s32 $0x8200  }
0x7: {  	s16 =	simm.s32 $0xC200;
	s17 =	simm.s32 $0x0;
	[smem:$0x7FF] =	sst s3  }
0x8: {  	s5 =	sand.u32 $0x1, s4;
	s8 =	sshll.u32 s2, $0x1;
	s4 =	sadd.s32 $0x400, s7  }
0x9: {  	_ =	strace $0x80000047;
	s8 =	sor.u32 s5, s8;
	s9 =	ssub.s32 $0x2, s5  }
0xa: {  	s5 =	sadd.s32 $0x40400, s7;
	s10 =	sshll.u32 s8, $0x4;
	s11 =	sshrl.u32 s9, $0x1  }
0xb: {  	s31 =	sshll.u32 s8, $0x6;
	s10 =	sadd.s32 s10, s7;
	s9 =	ssub.s32 s9, s11  }
0xc: {  	s6 =	sadd.s32 s6, s31;
	s7 =	sshll.u32 s8, $0xD;
	s11 =	simm.s32 $0x80  }
0xd: {  	s8 =	sadd.s32 $0x80400, s10;
	s9 =	smax.u32 s9, $0x1;
	s10 =	simm.s32 $0x2  }
.LBB2_1:
0xe: {  	[tilespmem:s3], [sflag:$0x2] =	stream.linear.gather [hbm4b:s6+s3], $0x200, $0x38;
	[tilespmem:$0xC280] =	vst v63  }
0xf: {  	_ =	swait.ge [sflag:s10], $0x200  }
0x10: {  	[sflag:s10] =	ssyncset.done $0x0  }
0x11: {  	v0 =	vimm.f32 $0.0e+00;
	s18 =	simm.s32 $0x0;
	[sflag:s10] =	ssyncadd.s32 $0xFFFFFE00  }
.LBB2_2:
0x12: {  	s19 =	sshll.u32 s18, $0x7  }
0x13: {  	s19 =	sand.u32 $0x3FFFFF80, s19  }
0x14: {  	[tilespmem:s12], [sflag:$0x1] =	stream.indirect.gather [hbm4b:s1+s11], $0x80, s19, s11, $0xb8;
	[tilespmem:$0xC280] =	vst v63  }
0x15: {  	s31 =	sshll.u32 s18, $0xB;
	_ =	swait.ge [sflag:s13], $0x4000  }
0x16: {  	s19 =	sadd.s32 s7, s31;
	[sflag:s13] =	ssyncset.done $0x0  }
0x17: {  	s21 =	simm.s32 $0x0;
	s20 =	sadd.s32 s4, s19;
	[sflag:s13] =	ssyncadd.s32 $0xFFFFC000  }
0x18: {  	[tilespmem:s14], [sflag:$0x2] =	stream.linear.gather [hbm4b:s20+s21], $0x4000, $0x38;
	[tilespmem:$0xC280] =	vst v63  }
0x19: {  	_ =	swait.ge [sflag:s10], $0x4000  }
0x1a: {  	[sflag:s10] =	ssyncset.done $0x0  }
0x1b: {  	s21 =	simm.s32 $0x0;
	[sflag:s10] =	ssyncadd.s32 $0xFFFFC000  }
0x1c: {  	v1 =	vld [tilespmem:s21+$0x200]  }
0x1d: {  	v2 =	vld [tilespmem:s21+$0x4200]  }
0x1e: {  	v3 =	vld [tilespmem:s21+$0x210]  }
0x1f: {  	v4 =	vld [tilespmem:s21+$0x4210]  }
0x20: {  	v5 =	vld [tilespmem:s21+$0x220]  }
0x21: {  	v6 =	vld [tilespmem:s21+$0x4220]  }
0x22: {  	v7 =	vld [tilespmem:s21+$0x230]  }
0x23: {  	s20 =	simm.s32 $0x80;
	v8 =	vld [tilespmem:s21+$0x4230];
	v9 =	vsub.f32 v1, v2  }
0x24: {  	v10 =	vld [tilespmem:s20+$0x200]  }
0x25: {  	v12 =	vld [tilespmem:s20+$0x210];
	v3 =	vsub.f32 v3, v4;
	v11 =	vmul.f32 v9, v9;
	v9 =	vadd.f32 v9, v2  }
0x26: {  	v1 =	vld [tilespmem:s20+$0x4200]  }
0x27: {  	v5 =	vsub.f32 v5, v6;
	v2 =	vld [tilespmem:s20+$0x4210];
	v11 =	vadd.f32 v11, v0;
	[tilespmem:s21+$0x8200] =	vst v9;
	v9 =	vmul.f32 v3, v3  }
0x28: {  	v3 =	vadd.f32 v3, v4  }
0x29: {  	v13 =	vsub.f32 v7, v8;
	v4 =	vld [tilespmem:s20+$0x220];
	v9 =	vadd.f32 v9, v11;
	v11 =	vmul.f32 v5, v5  }
0x2a: {  	v6 =	vadd.f32 v5, v6;
	v0 =	vld [tilespmem:s20+$0x4220];
	[tilespmem:s21+$0x8210] =	vst v3  }
0x2b: {  	v14 =	vmul.f32 v13, v13;
	v7 =	vsub.f32 v10, v1;
	v5 =	vld [tilespmem:s20+$0x230];
	v11 =	vadd.f32 v11, v9  }
0x2c: {  	s22 =	simm.s32 $0x100;
	v10 =	vadd.f32 v13, v8;
	v3 =	vld [tilespmem:s20+$0x4230];
	[tilespmem:s21+$0x8220] =	vst v6  }
0x2d: {  	s23 =	simm.s32 $0x600;
	v8 =	vsub.f32 v12, v2;
	v6 =	vld [tilespmem:s22+$0x200];
	v9 =	vmul.f32 v7, v7;
	v11 =	vadd.f32 v14, v11  }
.LBB2_3:
0x2e: {  	p0 =	sne.s32 s23, $0xFE00;
	v7 =	vadd.f32 v7, v1;
	v1 =	vld [tilespmem:s22+$0x4200];
	[tilespmem:s21+$0x8230] =	vst v10;
	s21 =	smov.u32 s20;
	s20 =	smov.u32 s22  }
0x2f: {  	v12 =	vld [tilespmem:s20+$0x210];
	v9 =	vadd.f32 v9, v11;
	v10 =	vmul.f32 v8, v8;
	v11 =	vsub.f32 v4, v0  }
0x30: {  	[tilespmem:s21+$0x8200] =	vst v7;
	v7 =	vadd.f32 v8, v2;
	v2 =	vld [tilespmem:s20+$0x4210]  }
.Ltmp0:
0x31: {  	v4 =	vld [tilespmem:s20+$0x220];
	v8 =	vadd.f32 v10, v9;
	v9 =	vmul.f32 v11, v11;
	v10 =	vsub.f32 v5, v3;
	(pc) =	sbr.rel @p0 .LBB2_3-.Ltmp0, $4  }
0x32: {  	v11 =	vadd.f32 v11, v0;
	[tilespmem:s21+$0x8210] =	vst v7;
	v0 =	vld [tilespmem:s20+$0x4220]  }
0x33: {  	v7 =	vsub.f32 v6, v1;
	v5 =	vld [tilespmem:s20+$0x230];
	v13 =	vadd.f32 v9, v8;
	v14 =	vmul.f32 v10, v10  }
0x34: {  	s22 =	sshra.s32 s23, $0x2;
	v10 =	vadd.f32 v10, v3;
	[tilespmem:s21+$0x8220] =	vst v11;
	v3 =	vld [tilespmem:s20+$0x4230]  }
0x35: {  	s23 =	sadd.s32 $0x200, s23;
	v6 =	vld [tilespmem:s22+$0x200];
	v9 =	vmul.f32 v7, v7;
	v8 =	vsub.f32 v12, v2;
	v11 =	vadd.f32 v14, v13  }
0x36: {  	v12 =	vld [tilespmem:s22+$0x4200];
	[tilespmem:s21+$0x8230] =	vst v10;
	v1 =	vadd.f32 v7, v1  }
0x37: {  	v54 =	vld [tilespmem:s22+$0x210]  }
0x38: {  	v10 =	vld [tilespmem:s22+$0x4210];
	[tilespmem:s20+$0x8200] =	vst v1;
	v1 =	vadd.f32 v8, v2  }
0x39: {  	v2 =	vld [tilespmem:s22+$0x220]  }
0x3a: {  	v9 =	vadd.f32 v9, v11;
	v55 =	vmul.f32 v8, v8;
	v4 =	vsub.f32 v4, v0;
	v56 =	vld [tilespmem:s22+$0x4220];
	[tilespmem:s20+$0x8210] =	vst v1  }
0x3b: {  	v58 =	vld [tilespmem:s22+$0x230]  }
0x3c: {  	v57 =	vmul.f32 v4, v4;
	v5 =	vsub.f32 v5, v3;
	v1 =	vadd.f32 v55, v9;
	v13 =	vld [tilespmem:s22+$0x4230]  }
0x3d: {  	v0 =	vadd.f32 v4, v0;
	v6 =	vsub.f32 v6, v12  }
0x3e: {  	v59 =	vmul.f32 v5, v5;
	v3 =	vadd.f32 v5, v3;
	v1 =	vadd.f32 v57, v1  }
0x3f: {  	[tilespmem:s20+$0x8220] =	vst v0;
	v60 =	vsub.f32 v54, v10;
	v0 =	vadd.f32 v6, v12  }
0x40: {  	v1 =	vadd.f32 v59, v1;
	v2 =	vsub.f32 v2, v56  }
0x41: {  	v61 =	vmul.f32 v6, v6;
	[tilespmem:s20+$0x8230] =	vst v3;
	v3 =	vadd.f32 v60, v10;
	v62 =	vsub.f32 v58, v13  }
0x42: {  	[tilespmem:s22+$0x8200] =	vst v0;
	v0 =	vadd.f32 v2, v56  }
0x43: {  	s18 =	sadd.s32 $0x1, s18;
	v63 =	vmul.f32 v60, v60;
	v1 =	vadd.f32 v61, v1;
	[tilespmem:s22+$0x8210] =	vst v3;
	v3 =	vadd.f32 v62, v13  }
0x44: {  	p0 =	sne.s32 s18, $0x4;
	[tilespmem:s22+$0x8220] =	vst v0  }
.Ltmp1:
0x45: {  	s19 =	sadd.s32 s5, s19;
	v0 =	vadd.f32 v63, v1;
	v1 =	vmul.f32 v2, v2;
	[tilespmem:s22+$0x8230] =	vst v3;
	(pc) =	sbr.rel @p0 .LBB2_2-.Ltmp1, $4  }
0x46: {  	[hbm4b:s19+s3] =	stream.linear.scatter [tilespmem:s15], [sflag:$0x2], $0x4000, $0x38;
	[tilespmem:$0xC280] =	vst v63  }
0x47: {  	v0 =	vadd.f32 v1, v0;
	v1 =	vmul.f32 v62, v62;
	_ =	swait.ge [sflag:s10], $0x4000  }
0x48: {  	[sflag:s10] =	ssyncset.done $0x0  }
0x49: {  	v0 =	vadd.f32 v1, v0;
	[sflag:s10] =	ssyncadd.s32 $0xFFFFC000  }
0x4a: {  	s17 =	sadd.s32 $0x1, s17  }
0x4b: {  	p0 =	sne.s32 s17, s9  }
.Ltmp2:
0x4c: {  	[tilespmem:$0xC200] =	vst v0;
	(pc) =	sbr.rel @p0 .LBB2_1-.Ltmp2, $4  }
0x4d: {  	[hbm4b:s8+s3] =	stream.linear.scatter [tilespmem:s16], [sflag:$0x2], $0x80, $0x38;
	[tilespmem:$0xC280] =	vst v63  }
0x4e: {  	_ =	swait.ge [sflag:s10], $0x80  }
0x4f: {  	[sflag:s10] =	ssyncset.done $0x0  }
0x50: {  	[sflag:s10] =	ssyncadd.s32 $0xFFFFFF80  }
0x51: {  	_ =	sfence.sel $0x180000  }
0x52: {  	[bflag:$0x0] =	sbarrier.arrive $0xFFFF  }
0x53: {  	p0 =	sne.s32 s2, $0x0;
	_ =	strace $0x90000047  }
0x54: {  	s0 =	sadd.s32 @!p0 $0x100000, s0;
	[bflag:$0x2] =	sbarrier.arrive $0xFFFF  }
0x55: {  	[sflag:s0] =	ssyncadd.tile.s32 @!p0 $0x1;
	_ =	shalt  }
.Lfunc_end2:
_tile_overlayer_lowered:
.L_overlay_start_2:
0x56: {  	(tag) =	ssettag $0x2  }
0x57: {  	s0 =	rddreg [dreg:$0x0];
	s2 =	stileid.u32  }
0x58: {  	s1 =	rddreg [dreg:$0x1];
	p0 =	sne.s32 s2, $0x0  }
0x59: {  	s3 =	rddreg [dreg:$0x2];
	[bflag:$0x3] =	sbarrier.arrive $0xFFFF;
	s2 =	simm.s32 @!p0 $0x1C02  }
0x5a: {  	[timem:s3], [sflag:s2] =	dma.local @!p0 [hbm:s0], s1  }
0x5b: {  	s0 =	simm.s32 @!p0 $0x2  }
0x5c: {  	_ =	swait.ge @!p0 [sflag:s0], s1  }
0x5d: {  	s1 =	ssub.s32 @!p0 $0x0, s1;
	[sflag:s0] =	ssyncset.done @!p0 $0x0  }
0x5e: {  	[sflag:s0] =	ssyncadd.s32 @!p0 s1  }
0x5f: {  	[bflag:$0x3] =	sbarrier.arrive $0xFFFF  }
0x60: {  	_ =	shalt  }

</sc_bundles>
